<compile_context>
chip_gen: v7x
topology: tpu7x:2x2x1
jax: 0.10.2.dev20260603
libtpu: 0.0.44.dev20260713+nightly
codegen_flags: <defaults>
</compile_context>

<pallas_src>
import jax
import jax.numpy as jnp
from jax.experimental import pallas as pl
from jax.experimental.pallas import tpu as pltpu


def kernel(queries, keys, values, solved_sample):
    del solved_sample
    N, L, H, D = queries.shape
    R = L * H
    CR = 8192
    nc = R // CR
    grid = (N, nc)

    q2 = queries.reshape(N, R, D)
    k2 = keys.reshape(N, R, D)
    v2 = values.reshape(N, R, D)

    def body(q_ref, k_ref, v_ref, o_ref):
        o_ref[0] = q_ref[0] + k_ref[0] + v_ref[0]

    out = pl.pallas_call(
        body,
        grid=grid,
        in_specs=[
            pl.BlockSpec((1, CR, D), lambda n, c: (n, c, 0)),
            pl.BlockSpec((1, CR, D), lambda n, c: (n, c, 0)),
            pl.BlockSpec((1, CR, D), lambda n, c: (n, c, 0)),
        ],
        out_specs=pl.BlockSpec((1, CR, D), lambda n, c: (n, c, 0)),
        out_shape=jax.ShapeDtypeStruct((N, R, D), jnp.float32),
        compiler_params=pltpu.CompilerParams(
            dimension_semantics=("arbitrary", "arbitrary")),
    )(q2, k2, v2)

    return out.reshape(N, L, H, D)

# --- scband reference (transcript-rebuilt; emitter-appended) ---
"""Pipeline reference for scband-one2-many-attention-8031588843668 (READ-ONLY COPY).

The authoritative reference and input builder live on the scoring server;
editing this copy changes nothing except your own understanding.
"""

import jax, jax.numpy as jnp
import numpy as np


def elu_feature_map(x):
    return jax.nn.elu(x) + 1.0


def setup_inputs(seed: int = 0) -> dict:
    key = jax.random.key(seed)
    k1, k2, k3 = jax.random.split(key, 3)
    N, L, H, D = 4, 4096, 8, 64
    return {
        "queries": jax.random.normal(k1, (N, L, H, D), dtype=jnp.float32),
        "keys": jax.random.normal(k2, (N, L, H, D), dtype=jnp.float32),
        "values": jax.random.normal(k3, (N, L, H, D), dtype=jnp.float32),
        "solved_sample": jnp.zeros((N,), dtype=bool),
    }


def reference(queries, keys, values, solved_sample):
    # Faithful translation of One2ManyAttention.forward with
    # epipolar_info['solved_sample'] all-False: every sample takes the
    # 'unsolved' global linear-attention branch (the solved branch is a
    # no-op since Q_solved has zero rows). q_mask / source_mask are None.
    eps = 1e-6
    Q = elu_feature_map(queries)
    K = elu_feature_map(keys)
    # all samples unsolved
    v_length = values.shape[1]
    V = values / v_length
    KV = jnp.einsum('nshd,nshv->nhdv', K, V)
    Z = 1.0 / (jnp.einsum('nlhd,nhd->nlh', Q, K.sum(axis=1)) + eps)
    queried_values = jnp.einsum('nlhd,nhdv,nlh->nlhv', Q, KV, Z) * v_length
    return queried_values

if __name__ == "__main__":
    import jax
    _d = setup_inputs()
    print(jax.jit(kernel)(*tuple(_d.values())))

</pallas_src>

<mosaic_0001>
module attributes {stable_mosaic.version = 14 : i64} {
  func.func @body(%arg0: i32, %arg1: i32, %arg2: memref<1x8192x64xf32, #tpu.memory_space<vmem>>, %arg3: memref<1x8192x64xf32, #tpu.memory_space<vmem>>, %arg4: memref<1x8192x64xf32, #tpu.memory_space<vmem>>, %arg5: memref<1x8192x64xf32, #tpu.memory_space<vmem>>) attributes {dimension_semantics = [#tpu.dimension_semantics<arbitrary>, #tpu.dimension_semantics<arbitrary>], iteration_bounds = array<i64: 4, 4>, scalar_prefetch = 0 : i64, scratch_operands = 0 : i64, tpu.core_type = #tpu.core_type<tc>, window_params = [{transform_indices = @transform_0, window_bounds = array<i64: 1, 8192, 64>}, {transform_indices = @transform_1, window_bounds = array<i64: 1, 8192, 64>}, {transform_indices = @transform_2, window_bounds = array<i64: 1, 8192, 64>}, {transform_indices = @transform_3, window_bounds = array<i64: 1, 8192, 64>}]} {
    %get3A = arith.constant 0 : index
    %get3A_0 = arith.constant 0 : index
    %get3A_1 = arith.constant 0 : index
    %get3A_2 = vector.load %arg2[%get3A, %get3A_0, %get3A_1] : memref<1x8192x64xf32, #tpu.memory_space<vmem>>, vector<1x8192x64xf32>
    %get3A_3 = vector.shape_cast %get3A_2 : vector<1x8192x64xf32> to vector<8192x64xf32>
    %get3A_4 = arith.constant 0 : index
    %get3A_5 = arith.constant 0 : index
    %get3A_6 = arith.constant 0 : index
    %get3A_7 = vector.load %arg3[%get3A_4, %get3A_5, %get3A_6] : memref<1x8192x64xf32, #tpu.memory_space<vmem>>, vector<1x8192x64xf32>
    %get3A_8 = vector.shape_cast %get3A_7 : vector<1x8192x64xf32> to vector<8192x64xf32>
    %add3A = arith.addf %get3A_3, %get3A_8 : vector<8192x64xf32>
    %get3A_9 = arith.constant 0 : index
    %get3A_10 = arith.constant 0 : index
    %get3A_11 = arith.constant 0 : index
    %get3A_12 = vector.load %arg4[%get3A_9, %get3A_10, %get3A_11] : memref<1x8192x64xf32, #tpu.memory_space<vmem>>, vector<1x8192x64xf32>
    %get3A_13 = vector.shape_cast %get3A_12 : vector<1x8192x64xf32> to vector<8192x64xf32>
    %add3A_14 = arith.addf %add3A, %get3A_13 : vector<8192x64xf32>
    %swap3A = arith.constant 0 : index
    %swap3A_15 = arith.constant 0 : index
    %swap3A_16 = arith.constant 0 : index
    %swap3A_17 = vector.load %arg5[%swap3A, %swap3A_15, %swap3A_16] : memref<1x8192x64xf32, #tpu.memory_space<vmem>>, vector<1x8192x64xf32>
    %swap3A_18 = vector.shape_cast %swap3A_17 : vector<1x8192x64xf32> to vector<8192x64xf32>
    %swap3A_19 = vector.shape_cast %add3A_14 : vector<8192x64xf32> to vector<1x8192x64xf32>
    tpu.vector_store %arg5[%swap3A, %swap3A_15, %swap3A_16], %swap3A_19 {strides = array<i32>} : memref<1x8192x64xf32, #tpu.memory_space<vmem>>, vector<1x8192x64xf32>,
    return
  }
  func.func @transform_0(%arg0: i32, %arg1: i32) -> (i32, i32, i32) {
    %c0_i32 = arith.constant 0 : i32
    %c0_i32_0 = arith.constant 0 : i32
    return %arg0, %arg1, %c0_i32 : i32, i32, i32
  }
  func.func @transform_1(%arg0: i32, %arg1: i32) -> (i32, i32, i32) {
    %c0_i32 = arith.constant 0 : i32
    %c0_i32_0 = arith.constant 0 : i32
    return %arg0, %arg1, %c0_i32 : i32, i32, i32
  }
  func.func @transform_2(%arg0: i32, %arg1: i32) -> (i32, i32, i32) {
    %c0_i32 = arith.constant 0 : i32
    %c0_i32_0 = arith.constant 0 : i32
    return %arg0, %arg1, %c0_i32 : i32, i32, i32
  }
  func.func @transform_3(%arg0: i32, %arg1: i32) -> (i32, i32, i32) {
    %c0_i32 = arith.constant 0 : i32
    %c0_i32_0 = arith.constant 0 : i32
    return %arg0, %arg1, %c0_i32 : i32, i32, i32
  }
}

</mosaic_0001>

<sc_bundles>
// kernel: sparse-core-data-format-call.cloned.1.call-start
scs
called_computation_lowered:
.L_overlay_start_0:
0x0: {  	s2 =	sld [smem:$0x3FD9]  }
0x1: {  	s3 =	sld [smem:$0x3FFE];
	_ =	sdelay $0x1  }
0x2: {  	s1 =	srdreg.scid  }
0x3: {  	s0 =	sand.u32 $0x1, s1  }
0x4: {  	s18 =	sshll.u32 s0, $0xA;
	s2 =	sadd.s32 s3, s2  }
0x5: {  	s2 =	sadd.s32 s2, s18  }
0x6: {  	[smem:$0x3FC5] =	sst s2  }
0x7: {  	_ = 	snop  }
0x8: {  	s2 =	sld [smem:$0x3FD0];
	(tm) =	ssettm $0x1  }
0x9: {  	s19 =	sld [smem:$0x3FFB];
	_ =	sdelay $0x3  }
0xa: {  	_ =	strace s19  }
0xb: {  	s3 =	sld [smem:$0x3FFC];
	_ =	sdelay $0x3  }
0xc: {  	_ =	strace s3  }
0xd: {  	s3 =	sld [smem:$0x3FFD];
	_ =	sdelay $0x3  }
0xe: {  	_ =	strace s3  }
0xf: {  	_ =	strace $0x8FFFFFFF  }
0x10: {  	s20 =	sld [smem:$0x3FDB];
	_ =	sdelay $0x1  }
0x11: {  	s4 =	simm.s32 $_scs_section_size  }
0x12: {  	s5 =	simm.s32 $_size__tile_overlayer_lowered;
	s6 =	simm.s32 $_tile_overlayer_lowered  }
0x13: {  	s23 =	simm.s32 $0x1BFF;
	s22 =	sshll.u32 s6, $0x1;
	s3 =	sadd.s32 s4, s20  }
0x14: {  	s7 =	simm.s32 $0x0;
	s21 =	sshll.u32 s5, $0x1;
	s5 =	sadd.s32 s22, s3  }
0x15: {  	[timem:s7], [sflag:s23] =	dma.local [hbm:s5], s21  }
0x16: {  	_ =	swait.ge [sflag:s23], s21  }
0x17: {  	s4 =	ssub.s32 $0x0, s21;
	[sflag:s23] =	ssyncset.done $0x0  }
0x18: {  	[sflag:s23] =	ssyncadd.s32 s4;
	_ =	sdelay $0x1  }
0x19: {  	s24 =	simm.s32 $0x1B8B  }
0x1a: {  	_ =	swait.ge [sflag:s24], $0x1  }
0x1b: {  	[sflag:s24] =	ssyncset.done $0x0  }
0x1c: {  	s26 =	simm.s32 $0x1B8E;
	s25 =	sld [smem:$0x3FFE];
	[sflag:s24] =	ssyncadd.s32 $0xFFFFFFFF  }
0x1d: {  	s27 =	simm.s32 $execute0_lowered;
	[smem:$0x3FD2] =	sst s26  }
0x1e: {  	s5 =	sshll.u32 s27, $0x1;
	_ =	strace $0x80000046;
	[dreg:$0x1] =	wrdreg $0xFFFFFFFF  }
0x1f: {  	s28 =	simm.s32 $_size_execute0_lowered;
	s3 =	sadd.s32 s3, s5;
	[dreg:$0x0] =	wrdreg $0x0  }
0x20: {  	s5 =	sshll.u32 s28, $0x1;
	[dreg:$0x2] =	wrdreg s3  }
0x21: {  	[dreg:$0x3] =	wrdreg s5  }
0x22: {  	[dreg:$0x4] =	wrdreg $0xC0  }
0x23: {  	_ =	task [dreg:s7], $0x5FFFF  }
0x24: {  	[dreg:$0x1] =	wrdreg $0xFFFFFFFF  }
0x25: {  	[dreg:$0x0] =	wrdreg $0x60  }
0x26: {  	[dreg:$0x2] =	wrdreg s25  }
0x27: {  	[dreg:$0x3] =	wrdreg s2  }
0x28: {  	[dreg:$0x4] =	wrdreg $0x9  }
0x29: {  	_ =	task.clear_ibuf [dreg:s7], $0x5FFFF;
	_ =	strace $0x90000046  }
0x2a: {  	s29 =	simm.s32 $0x9;
	_ =	strace $0x80000048  }
0x2b: {  	_ =	swait.ge [sflag:s29], $0x1  }
0x2c: {  	[sflag:s29] =	ssyncadd.s32 $0xFFFFFFFF  }
0x2d: {  	_ =	strace $0x90000048  }
0x2e: {  	_ =	sfence  }
0x2f: {  	s30 =	sld [smem:$0x0];
	_ =	sdelay $0x2  }
0x30: {  	s31 =	sshll.u32 s1, $0xD;
	s1 =	sshrl.u32 s1, $0x2  }
0x31: {  	s3 =	sand.u32 $0x4000, s31;
	s1 =	sadd.s32 s1, s30  }
0x32: {  	s0 =	sor.u32 s3, s0;
	s1 =	sshll.u32 s1, $0x11  }
0x33: {  	s0 =	sor.u32 s1, s0  }
0x34: {  	s0 =	sadd.s32 $0x8F2B, s0  }
0x35: {  	[sflag:s0] =	ssyncadd.remote.s32 $0x1  }
0x36: {  	_ =	sfence.sel $0xFFFF  }
0x37: {  	[dreg:$0x0] =	wrdreg $0xFFFFFFFF;
	(pc) =	sbr.abs _section_cstart, $3  }
0x38: {  	[dreg:$0x1] =	wrdreg $0xFFFFFFFF  }
0x39: {  	_ =	task.clear_ibuf [dreg:s7], $0x2FFFF;
	_ =	strace $0x9FFFFFFF  }
0x3a: {  	(tm) =	ssettm $0x7FFFFFFF  }
0x3b: {  	_ =	shalt  }
tec
execute0_lowered:
.L_overlay_start_1:
0x0: {  	(tag) =	ssettag $0x1  }
0x1: {  	s0 =	stileid.u32;
	s4 =	rddreg [dreg:$0x0]  }
0x2: {  	s1 =	srdreg.scid;
	s3 =	rddreg [dreg:$0x1];
	s7 =	simm.s32 $0x1  }
0x3: {  	s31 =	simm.s32 $0x2;
	s2 =	sshll.u32 s0, $0x5;
	s1 =	sshll.u32 s1, $0x9  }
0x4: {  	s14 =	simm.s32 $0x0;
	s9 =	simm.s32 $0x8000;
	s1 =	sor.u32 s2, s1  }
0x5: {  	s15 =	simm.s32 $0x0;
	s16 =	simm.s32 $0x0;
	s2 =	sand.u32 $0x380, s1  }
0x6: {  	s10 =	simm.s32 $0x0;
	s13 =	simm.s32 $0x0;
	s5 =	ssub.s32 $0x1000, s2  }
0x7: {  	s4 =	sadd.s32 $0x600400, s4;
	s1 =	rddreg [dreg:$0x2];
	s6 =	sand.u32 $0x380, s5  }
.Ltmp0:
0x8: {  	_ =	strace $0x80000047;
	p0 =	sne.s32 s6, $0x0;
	(pc) =	sbr.rel .LBB1_1-.Ltmp0, $4  }
0x9: {  	s11 =	smov.u32 s2;
	s8 =	sshrl.u32 s5, $0xA;
	s7 =	simm.s32 @!p0 $0x0  }
0xa: {  	s5 =	sand.u32 $0x3, s0;
	s6 =	simm.s32 $0x1;
	s7 =	sadd.s32 s7, s8  }
0xb: {  	s12 =	smov.u32 s5;
	[sflag:s6] =	ssyncpa.u1 $0x0;
	s7 =	sshll.u32 s7, $0x3  }
0xc: {  	p0 =	por $0x0, $0x0;
	[sflag:s31] =	ssyncpa.u1 $0x0;
	s8 =	sor.u32 $0x1, s7  }
.LBB1_4:
0xd: {  	s19 =	sshll.u32 s15, $0x3  }
0xe: {  	s20 =	sand.u32 $0x78, s15;
	s16 =	sshll.u32 s16, $0x12;
	s30 =	sand.u32 $0x7E00, s15  }
0xf: {  	s14 =	sshll.u32 s14, $0xF;
	s19 =	sand.u32 $0xC00, s19;
	s16 =	sadd.s32 s3, s16  }
0x10: {  	[tilespmem:s18+$0x810 ss:$0x81] =	vst.msk $0xffff, v2;
	s31 =	sand.u32 $0x7, s15;
	s19 =	sor.u32 s20, s19;
	s16 =	sadd.s32 s30, s16  }
0x11: {  	[tilespmem:s18+$0x1020 ss:$0x81] =	vst.msk $0xffff, v0;
	s15 =	sshll.u32 s31, $0x12;
	s19 =	sshrl.u32 s19, $0x3;
	s14 =	sadd.s32 s14, s16  }
0x12: {  	[tilespmem:s18+$0x0 ss:$0x81] =	vst.msk $0xffff, v1;
	s15 =	sor.u32 $0x400, s15;
	s14 =	sadd.s32 s19, s14  }
0x13: {  	[hbm4b:s14+s15] =	stream.strided.scatter [tilespmem:s17], [sflag:$0x2], $0x2000, s9, s15, $0x20;
	[tilespmem:$0x8080] =	vst v63  }
.LBB1_5:
0x14: {  	s17 =	sadd.s32 $0x1, s10  }
0x15: {  	s14 =	sadd.s32 $0x400, s11;
	s18 =	smov.u32 s11;
	p2 =	sgt.s32 s17, $0x7  }
0x16: {  	s18 =	smov.u32 @p2 s14  }
0x17: {  	s20 =	smov.u32 s12;
	s14 =	sadd.s32 $0x4, s12;
	p3 =	sgt.s32 s18, $0xFFF  }
0x18: {  	s20 =	smov.u32 @p3 s14  }
0x19: {  	s17 =	simm.s32 @p2 $0x0;
	p2 =	sgt.s32 s20, $0x3  }
0x1a: {  	p1 =	slt.u32 s13, $0x2;
	s20 =	smov.u32 @p2 s5;
	p2 =	sne.s32 s13, s8  }
.Ltmp1:
0x1b: {  	s19 =	simm.s32 @!p1 $0x2;
	(pc) =	sbr.rel @!p2 .LBB1_6-.Ltmp1, $4  }
0x1c: {  	s15 =	smov.u32 s11;
	s16 =	smov.u32 s12;
	_ =	swait.ge @!p1 [sflag:s19], $0x2000  }
0x1d: {  	p0 =	por !p0, !p0;
	[sflag:s19] =	ssyncset.done @!p1 $0x0;
	s18 =	smov.u32 @p3 s2  }
0x1e: {  	s14 =	smov.u32 s10;
	[sflag:s19] =	ssyncadd.s32 @!p1 $0xFFFFE000;
	s10 =	smov.u32 s17  }
0x1f: {  	s11 =	smov.u32 s18;
	s13 =	sadd.s32 $0x1, s13;
	s12 =	smov.u32 s20  }
.LBB1_1:
0x20: {  	p1 =	sge.u32 s13, s7;
	s31 =	sadd.s32 $0xFFFFFFFF, s13  }
0x21: {  	s17 =	sxor.u32 @!p1 $0xFFFFFFFF, s13;
	s18 =	sshll.u32 @!p1 s12, $0x13;
	s19 =	sshll.u32 @!p1 s11, $0x7  }
0x22: {  	s20 =	sshll.u32 @!p1 s10, $0x4;
	s17 =	sshll.u32 @!p1 s17, $0xD;
	s18 =	sadd.s32 @!p1 s4, s18  }
0x23: {  	s20 =	sand.u32 @!p1 $0x70, s20;
	s17 =	sand.u32 @!p1 $0x2000, s17;
	s18 =	sadd.s32 @!p1 s19, s18  }
0x24: {  	s19 =	simm.s32 @!p1 $0x40;
	s18 =	sadd.s32 @!p1 s20, s18;
	s20 =	simm.s32 @!p1 $0x400  }
0x25: {  	[tilespmem:s17], [sflag:$0x1] =	stream.strided.gather @!p1 [hbm4b:s18+s19], $0x2000, s20, s19, $0x38;
	[tilespmem:$0x8080] =	vst v63  }
0x26: {  	p1 =	sge.u32 s31, s7  }
.Ltmp2:
0x27: {  	_ = 	snop;
	(pc) =	sbr.rel @p1 .LBB1_5-.Ltmp2, $1  }
0x28: {  	_ =	sdelay $0x3  }
0x29: {  	s17 =	simm.s32 $0x1  }
0x2a: {  	_ =	swait.ge [sflag:s6], $0x2000;
	s17 =	simm.s32 @!p0 $0x0  }
0x2b: {  	[sflag:s6] =	ssyncset.done $0x0;
	s18 =	sshll.u32 s17, $0xD  }
0x2c: {  	[sflag:s6] =	ssyncadd.s32 $0xFFFFE000;
	s21 =	sor.u32 $0x20, s18  }
0x2d: {  	s17 =	smul.u32 $0x8100, s17;
	v3 =	vld [tilespmem:s21+$0x10]  }
0x2e: {  	s30 =	sand.u32 $0x1, s13;
	v2 =	vld [tilespmem:s21+$0xFFFFFFF0]  }
0x2f: {  	s18 =	smul.u32 $0x8100, s30;
	s17 =	sshrl.u32 s17, $0x2;
	v0 =	vld [tilespmem:s21+$0x0]  }
0x30: {  	v1 =	vld [tilespmem:s21+$0xFFFFFFE0];
	s19 =	sor.u32 $0x4000, s17  }
0x31: {  	s31 =	sshrl.u32 s18, $0x2;
	s18 =	sadd.s32 $0x0, s19  }
0x32: {  	s20 =	simm.s32 $0x4;
	s21 =	sadd.s32 $0x40, s21;
	s17 =	sor.u32 $0x4000, s31;
	[tilespmem:s18+$0x1830 ss:$0x81] =	vst.msk $0xffff, v3  }
.LBB1_3:
0x33: {  	v3 =	vld [tilespmem:s21+$0x10];
	p1 =	sne.s32 s20, $0x1FC;
	[tilespmem:s18+$0x810 ss:$0x81] =	vst.msk $0xffff, v2;
	s22 =	smov.u32 s20;
	s20 =	sadd.s32 $0x4, s20  }
.Ltmp3:
0x34: {  	v2 =	vld [tilespmem:s21+$0xFFFFFFF0];
	[tilespmem:s18+$0x1020 ss:$0x81] =	vst.msk $0xffff, v0;
	(pc) =	sbr.rel @p1 .LBB1_3-.Ltmp3, $4  }
0x35: {  	v0 =	vld [tilespmem:s21+$0x0];
	[tilespmem:s18+$0x0 ss:$0x81] =	vst.msk $0xffff, v1  }
0x36: {  	s18 =	sshra.s32 s22, $0x2;
	v1 =	vld [tilespmem:s21+$0xFFFFFFE0]  }
0x37: {  	s18 =	sadd.s32 s18, s19  }
0x38: {  	s21 =	sadd.s32 $0x40, s21;
	[tilespmem:s18+$0x1830 ss:$0x81] =	vst.msk $0xffff, v3  }
.Ltmp4:
0x39: {  	_ = 	snop;
	(pc) =	sbr.rel .LBB1_4-.Ltmp4, $1  }
0x3a: {  	_ =	sdelay $0x3  }
.LBB1_6:
0x3b: {  	_ =	sfence.sel $0x180000  }
0x3c: {  	s2 =	simm.s32 $0x1;
	[bflag:$0x0] =	sbarrier.arrive $0xFFFF  }
0x3d: {  	s31 =	simm.s32 $0x2;
	[sflag:s2] =	ssyncpa.u1 $0x1  }
0x3e: {  	[sflag:s31] =	ssyncpa.u1 $0x1  }
0x3f: {  	p0 =	sne.s32 s0, $0x0;
	_ =	strace $0x90000047  }
0x40: {  	s0 =	sadd.s32 @!p0 $0x100000, s1;
	[bflag:$0x2] =	sbarrier.arrive $0xFFFF  }
0x41: {  	[sflag:s0] =	ssyncadd.tile.s32 @!p0 $0x1;
	_ =	shalt  }
.Lfunc_end1:
_tile_overlayer_lowered:
.L_overlay_start_2:
0x42: {  	(tag) =	ssettag $0x2  }
0x43: {  	s0 =	rddreg [dreg:$0x0];
	s2 =	stileid.u32  }
0x44: {  	s1 =	rddreg [dreg:$0x1];
	p0 =	sne.s32 s2, $0x0  }
0x45: {  	s3 =	rddreg [dreg:$0x2];
	[bflag:$0x3] =	sbarrier.arrive $0xFFFF;
	s2 =	simm.s32 @!p0 $0x1C01  }
0x46: {  	[timem:s3], [sflag:s2] =	dma.local @!p0 [hbm:s0], s1  }
0x47: {  	s0 =	simm.s32 @!p0 $0x1  }
0x48: {  	_ =	swait.ge @!p0 [sflag:s0], s1  }
0x49: {  	s1 =	ssub.s32 @!p0 $0x0, s1;
	[sflag:s0] =	ssyncset.done @!p0 $0x0  }
0x4a: {  	[sflag:s0] =	ssyncadd.s32 @!p0 s1  }
0x4b: {  	[bflag:$0x3] =	sbarrier.arrive $0xFFFF  }
0x4c: {  	_ =	shalt  }

</sc_bundles>
